<compile_context>
chip_gen: v7x
topology: tpu7x:2x2x1
jax: 0.10.2.dev20260603
libtpu: 0.0.44.dev20260713+nightly
codegen_flags: <defaults>
</compile_context>

<pallas_src>
import functools

import jax
import jax.numpy as jnp
from jax import lax
from jax.experimental import pallas as pl
from jax.experimental.pallas import tpu as pltpu
from jax.experimental.pallas import tpu_sc as plsc

N1 = 32768
D = 512
N2 = 2048
S = 1024

NC = 2
NS = 16
NDS = 4
DSL = D // NDS
NRG = NS // NDS
NGRP = NC * NRG
RPG = N1 // NGRP
CHUNK = 128
NCHUNK = RPG // CHUNK
ZROWS = S // NRG


def _segsum_sc(tensor1, seg_idx, zeros):
    mesh = plsc.VectorSubcoreMesh(
        core_axis_name="c", subcore_axis_name="s", num_cores=NC, num_subcores=NS
    )

    @functools.partial(
        pl.kernel,
        out_type=jax.ShapeDtypeStruct((NC, NDS, S, DSL), jnp.float32),
        mesh=mesh,
        scratch_types=[
            pltpu.VMEM((NCHUNK, CHUNK), jnp.int32),
            pltpu.VMEM((CHUNK, DSL), jnp.float32),
            pltpu.VMEM((CHUNK, DSL), jnp.float32),
            pltpu.VMEM((CHUNK, DSL), jnp.float32),
            pltpu.VMEM((CHUNK, DSL), jnp.float32),
            pltpu.VMEM_SHARED((NDS, S, DSL), jnp.float32),
            pltpu.SemaphoreType.DMA,
            pltpu.SemaphoreType.DMA,
            pltpu.SemaphoreType.DMA,
            pltpu.SemaphoreType.DMA,
            pltpu.SemaphoreType.DMA,
        ],
    )
    def segsum(t1_hbm, idx_hbm, z_hbm, out_hbm, idx_v, rb0, rb1, rb2, rb3,
               acc_sh, gs0, gs1, gs2, gs3, ssem):
        c = lax.axis_index("c")
        s = lax.axis_index("s")
        rg = s // NDS
        dsi = lax.rem(s, NDS)
        d0 = dsi * DSL
        grp = c * NRG + rg
        base = grp * RPG

        pltpu.sync_copy(z_hbm, acc_sh.at[dsi, pl.ds(rg * ZROWS, ZROWS)])
        pltpu.sync_copy(idx_hbm.at[grp], idx_v)
        plsc.subcore_barrier()

        plane = acc_sh.at[dsi]
        bufs = (rb0, rb1, rb2, rb3)
        gsems = (gs0, gs1, gs2, gs3)

        def gather(j, p):
            return pltpu.make_async_copy(
                t1_hbm.at[pl.ds(base + j * CHUNK, CHUNK), pl.ds(d0, DSL)],
                bufs[p],
                gsems[p],
            )

        def scatter_desc(j, p):
            return pltpu.make_async_copy(bufs[p], plane.at[idx_v.at[j]], ssem)

        gather(0, 0).start()
        gather(1, 1).start()

        def body(jj, carry):
            jb = 4 * jj
            for p in range(4):
                j = jb + p
                gather(j, p).wait()
                pltpu.async_copy(bufs[p], plane.at[idx_v.at[j]], ssem, add=True)

                @pl.when(j >= 2)
                def _():
                    scatter_desc(j - 2, (p + 2) % 4).wait()

                @pl.when(j + 2 < NCHUNK)
                def _():
                    gather(j + 2, (p + 2) % 4).start()
            return carry

        lax.fori_loop(0, NCHUNK // 4, body, 0)
        scatter_desc(NCHUNK - 2, 2).wait()
        scatter_desc(NCHUNK - 1, 3).wait()

        plsc.subcore_barrier()
        pltpu.sync_copy(
            acc_sh.at[dsi, pl.ds(rg * ZROWS, ZROWS)],
            out_hbm.at[c, dsi, pl.ds(rg * ZROWS, ZROWS)],
        )

    return segsum(tensor1, seg_idx, zeros)


def _matmul_tc(partials, tensor2):

    def mm(p_ref, t2_ref, o_ref):
        q = p_ref[0] + p_ref[1]
        agg = jnp.concatenate([q[i] for i in range(NDS)], axis=1)
        o_ref[...] = lax.dot_general(
            agg,
            t2_ref[...],
            (((1,), (1,)), ((), ())),
            preferred_element_type=jnp.float32,
        )

    return pl.pallas_call(
        mm,
        out_shape=jax.ShapeDtypeStruct((S, N2), jnp.float32),
    )(partials, tensor2)


def kernel(tensor1, tensor2, segment_ids):
    seg_idx = segment_ids.astype(jnp.int32).reshape(NGRP, NCHUNK, CHUNK)
    zeros = jnp.zeros((ZROWS, DSL), jnp.float32)
    partials = _segsum_sc(tensor1, seg_idx, zeros)
    return _matmul_tc(partials, tensor2)

# --- scband reference (transcript-rebuilt; emitter-appended) ---
"""Pipeline reference for scband-aggregate-kernel-13400297963818 (READ-ONLY COPY).

The authoritative reference and input builder live on the scoring server;
editing this copy changes nothing except your own understanding.
"""

import jax, jax.numpy as jnp
import numpy as np

N1 = 32768
D = 512
N2 = 2048
NUM_STRUCTURES = 1024


def setup_inputs(seed: int = 0) -> dict:
    key = jax.random.key(seed)
    k1, k2, k3 = jax.random.split(key, 3)
    tensor1 = jax.random.normal(k1, (N1, D), dtype=jnp.float32)
    tensor2 = jax.random.normal(k2, (N2, D), dtype=jnp.float32)
    segment_ids = jnp.sort(jax.random.randint(k3, (N1,), 0, NUM_STRUCTURES, dtype=jnp.int64))
    return {"tensor1": tensor1, "tensor2": tensor2, "segment_ids": segment_ids}


def reference(tensor1, tensor2, segment_ids):
    # compute_kernel: linear kernel between environments of tensor1 and
    # pseudo points tensor2 (are_pseudo_points = (False, True)).
    # kernel[i, j] = <tensor1[i], tensor2[j]>  -> [N1, N2]
    kernel = jnp.dot(tensor1, tensor2.T)
    # aggregate_kernel with aggregate_type='sum':
    # sum_over_samples along 'structure' sample name == segment-sum of kernel
    # rows grouped by the structure id of each environment.
    aggregated = jax.ops.segment_sum(kernel, segment_ids, num_segments=NUM_STRUCTURES)
    return aggregated

if __name__ == "__main__":
    import jax
    _d = setup_inputs()
    print(jax.jit(kernel)(*tuple(_d.values())))

</pallas_src>

<mosaic_0001>
#map = affine_map<(d0, d1) -> (0, 0)>
#map1 = affine_map<(d0, d1) -> (0, 0, 0)>
#map2 = affine_map<(d0, d1) -> (0, 0, 0, 0)>
module attributes {stable_mosaic.version = 14 : i64} {
  func.func @segsum(%arg0: i32, %arg1: i32, %arg2: memref<32768x512xf32, #tpu.memory_space<hbm>>, %arg3: memref<8x32x128xi32, #tpu.memory_space<hbm>>, %arg4: memref<256x128xf32, #tpu.memory_space<hbm>>, %arg5: memref<2x4x1024x128xf32, #tpu.memory_space<hbm>>, %arg6: memref<32x128xi32, #tpu.memory_space<vmem>>, %arg7: memref<128x128xf32, #tpu.memory_space<vmem>>, %arg8: memref<128x128xf32, #tpu.memory_space<vmem>>, %arg9: memref<128x128xf32, #tpu.memory_space<vmem>>, %arg10: memref<128x128xf32, #tpu.memory_space<vmem>>, %arg11: memref<4x1024x128xf32, #tpu.memory_space<vmem_shared>>, %arg12: memref<!tpu.dma_semaphore, #tpu.memory_space<semaphore_mem>>, %arg13: memref<!tpu.dma_semaphore, #tpu.memory_space<semaphore_mem>>, %arg14: memref<!tpu.dma_semaphore, #tpu.memory_space<semaphore_mem>>, %arg15: memref<!tpu.dma_semaphore, #tpu.memory_space<semaphore_mem>>, %arg16: memref<!tpu.dma_semaphore, #tpu.memory_space<semaphore_mem>>) attributes {dimension_semantics = [#tpu.dimension_semantics<core_parallel>, #tpu.dimension_semantics<subcore_parallel>], iteration_bounds = array<i64: 2, 16>, scalar_prefetch = 0 : i64, scratch_operands = 11 : i64, tpu.core_type = #tpu.core_type<sc_vector_subcore>, window_params = [{transform_indices = #map}, {transform_indices = #map1}, {transform_indices = #map}, {transform_indices = #map2}]} {
    %jit3A = arith.constant 4 : i32
    %div3A = arith.divsi %arg1, %jit3A : i32
    %sign3A = arith.constant 0 : i32
    %sign3A_0 = arith.cmpi sgt, %arg1, %sign3A : i32
    %sign3A_1 = arith.extui %sign3A_0 : i1 to i32
    %sign3A_2 = arith.constant 0 : i32
    %sign3A_3 = arith.cmpi slt, %arg1, %sign3A_2 : i32
    %sign3A_4 = arith.extui %sign3A_3 : i1 to i32
    %sign3A_5 = arith.subi %sign3A_1, %sign3A_4 : i32
    %sign3A_6 = arith.constant 0 : i32
    %sign3A_7 = arith.cmpi sgt, %jit3A, %sign3A_6 : i32
    %sign3A_8 = arith.extui %sign3A_7 : i1 to i32
    %sign3A_9 = arith.constant 0 : i32
    %sign3A_10 = arith.cmpi slt, %jit3A, %sign3A_9 : i32
    %sign3A_11 = arith.extui %sign3A_10 : i1 to i32
    %sign3A_12 = arith.subi %sign3A_8, %sign3A_11 : i32
    %ne3A = arith.cmpi ne, %sign3A_5, %sign3A_12 : i32
    %rem3A = arith.remsi %arg1, %jit3A : i32
    %ne3A_13 = arith.constant 0 : i32
    %ne3A_14 = arith.cmpi ne, %rem3A, %ne3A_13 : i32
    %and3A = arith.andi %ne3A, %ne3A_14 : i1
    %sub3A = arith.constant 1 : i32
    %sub3A_15 = arith.subi %div3A, %sub3A : i32
    %select_n3A = arith.select %and3A, %sub3A_15, %div3A : i32
    %rem3A_16 = arith.constant 4 : i32
    %rem3A_17 = arith.remsi %arg1, %rem3A_16 : i32
    %mul3A = arith.constant 128 : i32
    %mul3A_18 = arith.muli %rem3A_17, %mul3A : i32
    %mul3A_19 = arith.constant 4 : i32
    %mul3A_20 = arith.muli %arg0, %mul3A_19 : i32
    %add3A = arith.addi %mul3A_20, %select_n3A : i32
    %mul3A_21 = arith.constant 4096 : i32
    %mul3A_22 = arith.muli %add3A, %mul3A_21 : i32
    %mul3A_23 = arith.constant 256 : i32
    %mul3A_24 = arith.muli %select_n3A, %mul3A_23 : i32
    "tpu.region"() ({
      %run_scoped3A = tpu.sem_alloc : memref<!tpu.dma_semaphore, #tpu.memory_space<semaphore_mem>>
      %dma_start3A_63 = arith.constant 0 : i32
      %dma_start3A_64 = tpu.memref_slice %arg11[%rem3A_17, %mul3A_24, %dma_start3A_63] : memref<4x1024x128xf32, #tpu.memory_space<vmem_shared>> -> memref<1x256x128xf32, #tpu.memory_space<vmem_shared>>
      %dma_start3A_65 = tpu.memref_squeeze %dma_start3A_64 : memref<1x256x128xf32, #tpu.memory_space<vmem_shared>> -> memref<256x128xf32, #tpu.memory_space<vmem_shared>>
      tpu.enqueue_dma source(%arg4 : memref<256x128xf32, #tpu.memory_space<hbm>>) target(%dma_start3A_65 : memref<256x128xf32, #tpu.memory_space<vmem_shared>>) target_semaphore(%run_scoped3A : memref<!tpu.dma_semaphore, #tpu.memory_space<semaphore_mem>>)
      %dma_wait3A_66 = arith.constant 0 : i32
      %dma_wait3A_67 = tpu.memref_slice %arg11[%rem3A_17, %mul3A_24, %dma_wait3A_66] : memref<4x1024x128xf32, #tpu.memory_space<vmem_shared>> -> memref<1x256x128xf32, #tpu.memory_space<vmem_shared>>
      %dma_wait3A_68 = tpu.memref_squeeze %dma_wait3A_67 : memref<1x256x128xf32, #tpu.memory_space<vmem_shared>> -> memref<256x128xf32, #tpu.memory_space<vmem_shared>>
      tpu.wait_dma2 semaphore(%run_scoped3A : memref<!tpu.dma_semaphore, #tpu.memory_space<semaphore_mem>>) src(%arg4 : memref<256x128xf32, #tpu.memory_space<hbm>>) dst(%dma_wait3A_68 : memref<256x128xf32, #tpu.memory_space<vmem_shared>>)
      tpu.yield
    }) : () -> ()
    "tpu.region"() ({
      %run_scoped3A = tpu.sem_alloc : memref<!tpu.dma_semaphore, #tpu.memory_space<semaphore_mem>>
      %dma_start3A_63 = arith.constant 0 : i32
      %dma_start3A_64 = arith.constant 0 : i32
      %dma_start3A_65 = tpu.memref_slice %arg3[%add3A, %dma_start3A_63, %dma_start3A_64] : memref<8x32x128xi32, #tpu.memory_space<hbm>> -> memref<1x32x128xi32, #tpu.memory_space<hbm>>
      %dma_start3A_66 = tpu.memref_squeeze %dma_start3A_65 : memref<1x32x128xi32, #tpu.memory_space<hbm>> -> memref<32x128xi32, #tpu.memory_space<hbm>>
      %dma_start3A_67 = arith.constant 0 : i32
      %dma_start3A_68 = arith.constant 0 : i32
      %dma_start3A_69 = tpu.memref_slice %arg3[%add3A, %dma_start3A_67, %dma_start3A_68] : memref<8x32x128xi32, #tpu.memory_space<hbm>> -> memref<1x32x128xi32, #tpu.memory_space<hbm>>
      %dma_start3A_70 = tpu.memref_squeeze %dma_start3A_69 : memref<1x32x128xi32, #tpu.memory_space<hbm>> -> memref<32x128xi32, #tpu.memory_space<hbm>>
      tpu.enqueue_dma source(%dma_start3A_70 : memref<32x128xi32, #tpu.memory_space<hbm>>) target(%arg6 : memref<32x128xi32, #tpu.memory_space<vmem>>) target_semaphore(%run_scoped3A : memref<!tpu.dma_semaphore, #tpu.memory_space<semaphore_mem>>)
      %dma_wait3A_71 = arith.constant 0 : i32
      %dma_wait3A_72 = arith.constant 0 : i32
      %dma_wait3A_73 = tpu.memref_slice %arg3[%add3A, %dma_wait3A_71, %dma_wait3A_72] : memref<8x32x128xi32, #tpu.memory_space<hbm>> -> memref<1x32x128xi32, #tpu.memory_space<hbm>>
      %dma_wait3A_74 = tpu.memref_squeeze %dma_wait3A_73 : memref<1x32x128xi32, #tpu.memory_space<hbm>> -> memref<32x128xi32, #tpu.memory_space<hbm>>
      %dma_wait3A_75 = arith.constant 0 : i32
      %dma_wait3A_76 = arith.constant 0 : i32
      %dma_wait3A_77 = tpu.memref_slice %arg3[%add3A, %dma_wait3A_75, %dma_wait3A_76] : memref<8x32x128xi32, #tpu.memory_space<hbm>> -> memref<1x32x128xi32, #tpu.memory_space<hbm>>
      %dma_wait3A_78 = tpu.memref_squeeze %dma_wait3A_77 : memref<1x32x128xi32, #tpu.memory_space<hbm>> -> memref<32x128xi32, #tpu.memory_space<hbm>>
      tpu.wait_dma2 semaphore(%run_scoped3A : memref<!tpu.dma_semaphore, #tpu.memory_space<semaphore_mem>>) src(%dma_wait3A_78 : memref<32x128xi32, #tpu.memory_space<hbm>>) dst(%arg6 : memref<32x128xi32, #tpu.memory_space<vmem>>)
      tpu.yield
    }) : () -> ()
    %barrier3A = arith.constant 0 : index
    tpu.barrier barrier_id(%barrier3A)
    %add3A_25 = arith.constant 0 : i32
    %add3A_26 = arith.addi %mul3A_22, %add3A_25 : i32
    %dma_start3A = tpu.memref_slice %arg2[%add3A_26, %mul3A_18] : memref<32768x512xf32, #tpu.memory_space<hbm>> -> memref<128x128xf32, #tpu.memory_space<hbm>>
    %dma_start3A_27 = tpu.memref_slice %arg2[%add3A_26, %mul3A_18] : memref<32768x512xf32, #tpu.memory_space<hbm>> -> memref<128x128xf32, #tpu.memory_space<hbm>>
    tpu.enqueue_dma source(%dma_start3A_27 : memref<128x128xf32, #tpu.memory_space<hbm>>) target(%arg7 : memref<128x128xf32, #tpu.memory_space<vmem>>) target_semaphore(%arg12 : memref<!tpu.dma_semaphore, #tpu.memory_space<semaphore_mem>>)
    %add3A_28 = arith.constant 128 : i32
    %add3A_29 = arith.addi %mul3A_22, %add3A_28 : i32
    %dma_start3A_30 = tpu.memref_slice %arg2[%add3A_29, %mul3A_18] : memref<32768x512xf32, #tpu.memory_space<hbm>> -> memref<128x128xf32, #tpu.memory_space<hbm>>
    %dma_start3A_31 = tpu.memref_slice %arg2[%add3A_29, %mul3A_18] : memref<32768x512xf32, #tpu.memory_space<hbm>> -> memref<128x128xf32, #tpu.memory_space<hbm>>
    tpu.enqueue_dma source(%dma_start3A_31 : memref<128x128xf32, #tpu.memory_space<hbm>>) target(%arg8 : memref<128x128xf32, #tpu.memory_space<vmem>>) target_semaphore(%arg13 : memref<!tpu.dma_semaphore, #tpu.memory_space<semaphore_mem>>)
    %scan3A = arith.constant 0 : i32
    %scan3A_32 = arith.constant 0 : i32
    %scan3A_33 = arith.constant 8 : i32
    %scan3A_34 = arith.addi %scan3A_32, %scan3A_33 : i32
    %scan3A_35 = arith.constant 1 : i32
    scf.for %scan3A_63 = %scan3A_32 to %scan3A_34 step %scan3A_35  : i32 {
      %mul3A_64 = arith.constant 4 : i32
      %mul3A_65 = arith.muli %mul3A_64, %scan3A_63 : i32
      %add3A_66 = arith.constant 0 : i32
      %add3A_67 = arith.addi %mul3A_65, %add3A_66 : i32
      %mul3A_68 = arith.constant 128 : i32
      %mul3A_69 = arith.muli %add3A_67, %mul3A_68 : i32
      %add3A_70 = arith.addi %mul3A_22, %mul3A_69 : i32
      %dma_wait3A_71 = tpu.memref_slice %arg2[%add3A_70, %mul3A_18] : memref<32768x512xf32, #tpu.memory_space<hbm>> -> memref<128x128xf32, #tpu.memory_space<hbm>>
      %dma_wait3A_72 = tpu.memref_slice %arg2[%add3A_70, %mul3A_18] : memref<32768x512xf32, #tpu.memory_space<hbm>> -> memref<128x128xf32, #tpu.memory_space<hbm>>
      tpu.wait_dma2 semaphore(%arg12 : memref<!tpu.dma_semaphore, #tpu.memory_space<semaphore_mem>>) src(%dma_wait3A_72 : memref<128x128xf32, #tpu.memory_space<hbm>>) dst(%arg7 : memref<128x128xf32, #tpu.memory_space<vmem>>)
      %dma_start3A_73 = arith.constant 0 : i32
      %dma_start3A_74 = tpu.memref_slice %arg6[%add3A_67, %dma_start3A_73] : memref<32x128xi32, #tpu.memory_space<vmem>> -> memref<1x128xi32, #tpu.memory_space<vmem>>
      %dma_start3A_75 = tpu.memref_squeeze %dma_start3A_74 : memref<1x128xi32, #tpu.memory_space<vmem>> -> memref<128xi32, #tpu.memory_space<vmem>>
      %dma_start3A_76 = arith.constant 0 : i32
      %dma_start3A_77 = arith.constant 0 : i32
      %dma_start3A_78 = tpu.memref_slice %arg11[%rem3A_17, %dma_start3A_76, %dma_start3A_77] : memref<4x1024x128xf32, #tpu.memory_space<vmem_shared>> -> memref<1x1024x128xf32, #tpu.memory_space<vmem_shared>>
      %dma_start3A_79 = tpu.memref_squeeze %dma_start3A_78 : memref<1x1024x128xf32, #tpu.memory_space<vmem_shared>> -> memref<1024x128xf32, #tpu.memory_space<vmem_shared>>
      %dma_start3A_80 = arith.constant 0 : i32
      %dma_start3A_81 = arith.constant 0 : i32
      %dma_start3A_82 = tpu.memref_slice %dma_start3A_79[%dma_start3A_80, %dma_start3A_81] : memref<1024x128xf32, #tpu.memory_space<vmem_shared>> -> memref<1024x128xf32, #tpu.memory_space<vmem_shared>>
      tpu.enqueue_indirect_dma source(%arg7 : memref<128x128xf32, #tpu.memory_space<vmem>>) target(%dma_start3A_82 : memref<1024x128xf32, #tpu.memory_space<vmem_shared>>) offsets(%dma_start3A_75 : memref<128xi32, #tpu.memory_space<vmem>>) semaphore(%arg16 : memref<!tpu.dma_semaphore, #tpu.memory_space<semaphore_mem>>) {add = true}
      %ge3A = arith.constant 2 : i32
      %ge3A_83 = arith.cmpi sge, %add3A_67, %ge3A : i32
      %convert_element_type3A = arith.extui %ge3A_83 : i1 to i32
      %cond3A = arith.constant 0 : i32
      %cond3A_84 = arith.cmpi ne, %convert_element_type3A, %cond3A : i32
      scf.if %cond3A_84 {
        %sub3A_178 = arith.constant 2 : i32
        %sub3A_179 = arith.subi %add3A_67, %sub3A_178 : i32
        %dma_wait3A_180 = arith.constant 0 : i32
        %dma_wait3A_181 = tpu.memref_slice %arg6[%sub3A_179, %dma_wait3A_180] : memref<32x128xi32, #tpu.memory_space<vmem>> -> memref<1x128xi32, #tpu.memory_space<vmem>>
        %dma_wait3A_182 = tpu.memref_squeeze %dma_wait3A_181 : memref<1x128xi32, #tpu.memory_space<vmem>> -> memref<128xi32, #tpu.memory_space<vmem>>
        %dma_wait3A_183 = arith.constant 0 : i32
        %dma_wait3A_184 = arith.constant 0 : i32
        %dma_wait3A_185 = tpu.memref_slice %arg11[%rem3A_17, %dma_wait3A_183, %dma_wait3A_184] : memref<4x1024x128xf32, #tpu.memory_space<vmem_shared>> -> memref<1x1024x128xf32, #tpu.memory_space<vmem_shared>>
        %dma_wait3A_186 = tpu.memref_squeeze %dma_wait3A_185 : memref<1x1024x128xf32, #tpu.memory_space<vmem_shared>> -> memref<1024x128xf32, #tpu.memory_space<vmem_shared>>
        %dma_wait3A_187 = arith.constant 0 : i32
        %dma_wait3A_188 = arith.constant 0 : i32
        %dma_wait3A_189 = tpu.memref_slice %dma_wait3A_186[%dma_wait3A_187, %dma_wait3A_188] : memref<1024x128xf32, #tpu.memory_space<vmem_shared>> -> memref<1024x128xf32, #tpu.memory_space<vmem_shared>>
        tpu.wait_indirect_dma semaphore(%arg16 : memref<!tpu.dma_semaphore, #tpu.memory_space<semaphore_mem>>) src(%arg9 : memref<128x128xf32, #tpu.memory_space<vmem>>) dst(%dma_wait3A_189 : memref<1024x128xf32, #tpu.memory_space<vmem_shared>>)
      } else {
      }
      %add3A_85 = arith.constant 2 : i32
      %add3A_86 = arith.addi %add3A_67, %add3A_85 : i32
      %lt3A = arith.constant 32 : i32
      %lt3A_87 = arith.cmpi slt, %add3A_86, %lt3A : i32
      %convert_element_type3A_88 = arith.extui %lt3A_87 : i1 to i32
      %cond3A_89 = arith.constant 0 : i32
      %cond3A_90 = arith.cmpi ne, %convert_element_type3A_88, %cond3A_89 : i32
      scf.if %cond3A_90 {
        %add3A_178 = arith.constant 2 : i32
        %add3A_179 = arith.addi %add3A_67, %add3A_178 : i32
        %mul3A_180 = arith.constant 128 : i32
        %mul3A_181 = arith.muli %add3A_179, %mul3A_180 : i32
        %add3A_182 = arith.addi %mul3A_22, %mul3A_181 : i32
        %dma_start3A_183 = tpu.memref_slice %arg2[%add3A_182, %mul3A_18] : memref<32768x512xf32, #tpu.memory_space<hbm>> -> memref<128x128xf32, #tpu.memory_space<hbm>>
        %dma_start3A_184 = tpu.memref_slice %arg2[%add3A_182, %mul3A_18] : memref<32768x512xf32, #tpu.memory_space<hbm>> -> memref<128x128xf32, #tpu.memory_space<hbm>>
        tpu.enqueue_dma source(%dma_start3A_184 : memref<128x128xf32, #tpu.memory_space<hbm>>) target(%arg9 : memref<128x128xf32, #tpu.memory_space<vmem>>) target_semaphore(%arg14 : memref<!tpu.dma_semaphore, #tpu.memory_space<semaphore_mem>>)
      } else {
      }
      %add3A_91 = arith.constant 1 : i32
      %add3A_92 = arith.addi %mul3A_65, %add3A_91 : i32
      %mul3A_93 = arith.constant 128 : i32
      %mul3A_94 = arith.muli %add3A_92, %mul3A_93 : i32
      %add3A_95 = arith.addi %mul3A_22, %mul3A_94 : i32
      %dma_wait3A_96 = tpu.memref_slice %arg2[%add3A_95, %mul3A_18] : memref<32768x512xf32, #tpu.memory_space<hbm>> -> memref<128x128xf32, #tpu.memory_space<hbm>>
      %dma_wait3A_97 = tpu.memref_slice %arg2[%add3A_95, %mul3A_18] : memref<32768x512xf32, #tpu.memory_space<hbm>> -> memref<128x128xf32, #tpu.memory_space<hbm>>
      tpu.wait_dma2 semaphore(%arg13 : memref<!tpu.dma_semaphore, #tpu.memory_space<semaphore_mem>>) src(%dma_wait3A_97 : memref<128x128xf32, #tpu.memory_space<hbm>>) dst(%arg8 : memref<128x128xf32, #tpu.memory_space<vmem>>)
      %dma_start3A_98 = arith.constant 0 : i32
      %dma_start3A_99 = tpu.memref_slice %arg6[%add3A_92, %dma_start3A_98] : memref<32x128xi32, #tpu.memory_space<vmem>> -> memref<1x128xi32, #tpu.memory_space<vmem>>
      %dma_start3A_100 = tpu.memref_squeeze %dma_start3A_99 : memref<1x128xi32, #tpu.memory_space<vmem>> -> memref<128xi32, #tpu.memory_space<vmem>>
      %dma_start3A_101 = arith.constant 0 : i32
      %dma_start3A_102 = arith.constant 0 : i32
      %dma_start3A_103 = tpu.memref_slice %arg11[%rem3A_17, %dma_start3A_101, %dma_start3A_102] : memref<4x1024x128xf32, #tpu.memory_space<vmem_shared>> -> memref<1x1024x128xf32, #tpu.memory_space<vmem_shared>>
      %dma_start3A_104 = tpu.memref_squeeze %dma_start3A_103 : memref<1x1024x128xf32, #tpu.memory_space<vmem_shared>> -> memref<1024x128xf32, #tpu.memory_space<vmem_shared>>
      %dma_start3A_105 = arith.constant 0 : i32
      %dma_start3A_106 = arith.constant 0 : i32
      %dma_start3A_107 = tpu.memref_slice %dma_start3A_104[%dma_start3A_105, %dma_start3A_106] : memref<1024x128xf32, #tpu.memory_space<vmem_shared>> -> memref<1024x128xf32, #tpu.memory_space<vmem_shared>>
      tpu.enqueue_indirect_dma source(%arg8 : memref<128x128xf32, #tpu.memory_space<vmem>>) target(%dma_start3A_107 : memref<1024x128xf32, #tpu.memory_space<vmem_shared>>) offsets(%dma_start3A_100 : memref<128xi32, #tpu.memory_space<vmem>>) semaphore(%arg16 : memref<!tpu.dma_semaphore, #tpu.memory_space<semaphore_mem>>) {add = true}
      %ge3A_108 = arith.constant 2 : i32
      %ge3A_109 = arith.cmpi sge, %add3A_92, %ge3A_108 : i32
      %convert_element_type3A_110 = arith.extui %ge3A_109 : i1 to i32
      %cond3A_111 = arith.constant 0 : i32
      %cond3A_112 = arith.cmpi ne, %convert_element_type3A_110, %cond3A_111 : i32
      scf.if %cond3A_112 {
        %sub3A_178 = arith.constant 2 : i32
        %sub3A_179 = arith.subi %add3A_92, %sub3A_178 : i32
        %dma_wait3A_180 = arith.constant 0 : i32
        %dma_wait3A_181 = tpu.memref_slice %arg6[%sub3A_179, %dma_wait3A_180] : memref<32x128xi32, #tpu.memory_space<vmem>> -> memref<1x128xi32, #tpu.memory_space<vmem>>
        %dma_wait3A_182 = tpu.memref_squeeze %dma_wait3A_181 : memref<1x128xi32, #tpu.memory_space<vmem>> -> memref<128xi32, #tpu.memory_space<vmem>>
        %dma_wait3A_183 = arith.constant 0 : i32
        %dma_wait3A_184 = arith.constant 0 : i32
        %dma_wait3A_185 = tpu.memref_slice %arg11[%rem3A_17, %dma_wait3A_183, %dma_wait3A_184] : memref<4x1024x128xf32, #tpu.memory_space<vmem_shared>> -> memref<1x1024x128xf32, #tpu.memory_space<vmem_shared>>
        %dma_wait3A_186 = tpu.memref_squeeze %dma_wait3A_185 : memref<1x1024x128xf32, #tpu.memory_space<vmem_shared>> -> memref<1024x128xf32, #tpu.memory_space<vmem_shared>>
        %dma_wait3A_187 = arith.constant 0 : i32
        %dma_wait3A_188 = arith.constant 0 : i32
        %dma_wait3A_189 = tpu.memref_slice %dma_wait3A_186[%dma_wait3A_187, %dma_wait3A_188] : memref<1024x128xf32, #tpu.memory_space<vmem_shared>> -> memref<1024x128xf32, #tpu.memory_space<vmem_shared>>
        tpu.wait_indirect_dma semaphore(%arg16 : memref<!tpu.dma_semaphore, #tpu.memory_space<semaphore_mem>>) src(%arg10 : memref<128x128xf32, #tpu.memory_space<vmem>>) dst(%dma_wait3A_189 : memref<1024x128xf32, #tpu.memory_space<vmem_shared>>)
      } else {
      }
      %add3A_113 = arith.constant 2 : i32
      %add3A_114 = arith.addi %add3A_92, %add3A_113 : i32
      %lt3A_115 = arith.constant 32 : i32
      %lt3A_116 = arith.cmpi slt, %add3A_114, %lt3A_115 : i32
      %convert_element_type3A_117 = arith.extui %lt3A_116 : i1 to i32
      %cond3A_118 = arith.constant 0 : i32
      %cond3A_119 = arith.cmpi ne, %convert_element_type3A_117, %cond3A_118 : i32
      scf.if %cond3A_119 {
        %add3A_178 = arith.constant 2 : i32
        %add3A_179 = arith.addi %add3A_92, %add3A_178 : i32
        %mul3A_180 = arith.constant 128 : i32
        %mul3A_181 = arith.muli %add3A_179, %mul3A_180 : i32
        %add3A_182 = arith.addi %mul3A_22, %mul3A_181 : i32
        %dma_start3A_183 = tpu.memref_slice %arg2[%add3A_182, %mul3A_18] : memref<32768x512xf32, #tpu.memory_space<hbm>> -> memref<128x128xf32, #tpu.memory_space<hbm>>
        %dma_start3A_184 = tpu.memref_slice %arg2[%add3A_182, %mul3A_18] : memref<32768x512xf32, #tpu.memory_space<hbm>> -> memref<128x128xf32, #tpu.memory_space<hbm>>
        tpu.enqueue_dma source(%dma_start3A_184 : memref<128x128xf32, #tpu.memory_space<hbm>>) target(%arg10 : memref<128x128xf32, #tpu.memory_space<vmem>>) target_semaphore(%arg15 : memref<!tpu.dma_semaphore, #tpu.memory_space<semaphore_mem>>)
      } else {
      }
      %add3A_120 = arith.constant 2 : i32
      %add3A_121 = arith.addi %mul3A_65, %add3A_120 : i32
      %mul3A_122 = arith.constant 128 : i32
      %mul3A_123 = arith.muli %add3A_121, %mul3A_122 : i32
      %add3A_124 = arith.addi %mul3A_22, %mul3A_123 : i32
      %dma_wait3A_125 = tpu.memref_slice %arg2[%add3A_124, %mul3A_18] : memref<32768x512xf32, #tpu.memory_space<hbm>> -> memref<128x128xf32, #tpu.memory_space<hbm>>
      %dma_wait3A_126 = tpu.memref_slice %arg2[%add3A_124, %mul3A_18] : memref<32768x512xf32, #tpu.memory_space<hbm>> -> memref<128x128xf32, #tpu.memory_space<hbm>>
      tpu.wait_dma2 semaphore(%arg14 : memref<!tpu.dma_semaphore, #tpu.memory_space<semaphore_mem>>) src(%dma_wait3A_126 : memref<128x128xf32, #tpu.memory_space<hbm>>) dst(%arg9 : memref<128x128xf32, #tpu.memory_space<vmem>>)
      %dma_start3A_127 = arith.constant 0 : i32
      %dma_start3A_128 = tpu.memref_slice %arg6[%add3A_121, %dma_start3A_127] : memref<32x128xi32, #tpu.memory_space<vmem>> -> memref<1x128xi32, #tpu.memory_space<vmem>>
      %dma_start3A_129 = tpu.memref_squeeze %dma_start3A_128 : memref<1x128xi32, #tpu.memory_space<vmem>> -> memref<128xi32, #tpu.memory_space<vmem>>
      %dma_start3A_130 = arith.constant 0 : i32
      %dma_start3A_131 = arith.constant 0 : i32
      %dma_start3A_132 = tpu.memref_slice %arg11[%rem3A_17, %dma_start3A_130, %dma_start3A_131] : memref<4x1024x128xf32, #tpu.memory_space<vmem_shared>> -> memref<1x1024x128xf32, #tpu.memory_space<vmem_shared>>
      %dma_start3A_133 = tpu.memref_squeeze %dma_start3A_132 : memref<1x1024x128xf32, #tpu.memory_space<vmem_shared>> -> memref<1024x128xf32, #tpu.memory_space<vmem_shared>>
      %dma_start3A_134 = arith.constant 0 : i32
      %dma_start3A_135 = arith.constant 0 : i32
      %dma_start3A_136 = tpu.memref_slice %dma_start3A_133[%dma_start3A_134, %dma_start3A_135] : memref<1024x128xf32, #tpu.memory_space<vmem_shared>> -> memref<1024x128xf32, #tpu.memory_space<vmem_shared>>
      tpu.enqueue_indirect_dma source(%arg9 : memref<128x128xf32, #tpu.memory_space<vmem>>) target(%dma_start3A_136 : memref<1024x128xf32, #tpu.memory_space<vmem_shared>>) offsets(%dma_start3A_129 : memref<128xi32, #tpu.memory_space<vmem>>) semaphore(%arg16 : memref<!tpu.dma_semaphore, #tpu.memory_space<semaphore_mem>>) {add = true}
      %ge3A_137 = arith.constant 2 : i32
      %ge3A_138 = arith.cmpi sge, %add3A_121, %ge3A_137 : i32
      %convert_element_type3A_139 = arith.extui %ge3A_138 : i1 to i32
      %cond3A_140 = arith.constant 0 : i32
      %cond3A_141 = arith.cmpi ne, %convert_element_type3A_139, %cond3A_140 : i32
      scf.if %cond3A_141 {
        %sub3A_178 = arith.constant 2 : i32
        %sub3A_179 = arith.subi %add3A_121, %sub3A_178 : i32
        %dma_wait3A_180 = arith.constant 0 : i32
        %dma_wait3A_181 = tpu.memref_slice %arg6[%sub3A_179, %dma_wait3A_180] : memref<32x128xi32, #tpu.memory_space<vmem>> -> memref<1x128xi32, #tpu.memory_space<vmem>>
        %dma_wait3A_182 = tpu.memref_squeeze %dma_wait3A_181 : memref<1x128xi32, #tpu.memory_space<vmem>> -> memref<128xi32, #tpu.memory_space<vmem>>
        %dma_wait3A_183 = arith.constant 0 : i32
        %dma_wait3A_184 = arith.constant 0 : i32
        %dma_wait3A_185 = tpu.memref_slice %arg11[%rem3A_17, %dma_wait3A_183, %dma_wait3A_184] : memref<4x1024x128xf32, #tpu.memory_space<vmem_shared>> -> memref<1x1024x128xf32, #tpu.memory_space<vmem_shared>>
        %dma_wait3A_186 = tpu.memref_squeeze %dma_wait3A_185 : memref<1x1024x128xf32, #tpu.memory_space<vmem_shared>> -> memref<1024x128xf32, #tpu.memory_space<vmem_shared>>
        %dma_wait3A_187 = arith.constant 0 : i32
        %dma_wait3A_188 = arith.constant 0 : i32
        %dma_wait3A_189 = tpu.memref_slice %dma_wait3A_186[%dma_wait3A_187, %dma_wait3A_188] : memref<1024x128xf32, #tpu.memory_space<vmem_shared>> -> memref<1024x128xf32, #tpu.memory_space<vmem_shared>>
        tpu.wait_indirect_dma semaphore(%arg16 : memref<!tpu.dma_semaphore, #tpu.memory_space<semaphore_mem>>) src(%arg7 : memref<128x128xf32, #tpu.memory_space<vmem>>) dst(%dma_wait3A_189 : memref<1024x128xf32, #tpu.memory_space<vmem_shared>>)
      } else {
      }
      %add3A_142 = arith.constant 2 : i32
      %add3A_143 = arith.addi %add3A_121, %add3A_142 : i32
      %lt3A_144 = arith.constant 32 : i32
      %lt3A_145 = arith.cmpi slt, %add3A_143, %lt3A_144 : i32
      %convert_element_type3A_146 = arith.extui %lt3A_145 : i1 to i32
      %cond3A_147 = arith.constant 0 : i32
      %cond3A_148 = arith.cmpi ne, %convert_element_type3A_146, %cond3A_147 : i32
      scf.if %cond3A_148 {
        %add3A_178 = arith.constant 2 : i32
        %add3A_179 = arith.addi %add3A_121, %add3A_178 : i32
        %mul3A_180 = arith.constant 128 : i32
        %mul3A_181 = arith.muli %add3A_179, %mul3A_180 : i32
        %add3A_182 = arith.addi %mul3A_22, %mul3A_181 : i32
        %dma_start3A_183 = tpu.memref_slice %arg2[%add3A_182, %mul3A_18] : memref<32768x512xf32, #tpu.memory_space<hbm>> -> memref<128x128xf32, #tpu.memory_space<hbm>>
        %dma_start3A_184 = tpu.memref_slice %arg2[%add3A_182, %mul3A_18] : memref<32768x512xf32, #tpu.memory_space<hbm>> -> memref<128x128xf32, #tpu.memory_space<hbm>>
        tpu.enqueue_dma source(%dma_start3A_184 : memref<128x128xf32, #tpu.memory_space<hbm>>) target(%arg7 : memref<128x128xf32, #tpu.memory_space<vmem>>) target_semaphore(%arg12 : memref<!tpu.dma_semaphore, #tpu.memory_space<semaphore_mem>>)
      } else {
      }
      %add3A_149 = arith.constant 3 : i32
      %add3A_150 = arith.addi %mul3A_65, %add3A_149 : i32
      %mul3A_151 = arith.constant 128 : i32
      %mul3A_152 = arith.muli %add3A_150, %mul3A_151 : i32
      %add3A_153 = arith.addi %mul3A_22, %mul3A_152 : i32
      %dma_wait3A_154 = tpu.memref_slice %arg2[%add3A_153, %mul3A_18] : memref<32768x512xf32, #tpu.memory_space<hbm>> -> memref<128x128xf32, #tpu.memory_space<hbm>>
      %dma_wait3A_155 = tpu.memref_slice %arg2[%add3A_153, %mul3A_18] : memref<32768x512xf32, #tpu.memory_space<hbm>> -> memref<128x128xf32, #tpu.memory_space<hbm>>
      tpu.wait_dma2 semaphore(%arg15 : memref<!tpu.dma_semaphore, #tpu.memory_space<semaphore_mem>>) src(%dma_wait3A_155 : memref<128x128xf32, #tpu.memory_space<hbm>>) dst(%arg10 : memref<128x128xf32, #tpu.memory_space<vmem>>)
      %dma_start3A_156 = arith.constant 0 : i32
      %dma_start3A_157 = tpu.memref_slice %arg6[%add3A_150, %dma_start3A_156] : memref<32x128xi32, #tpu.memory_space<vmem>> -> memref<1x128xi32, #tpu.memory_space<vmem>>
      %dma_start3A_158 = tpu.memref_squeeze %dma_start3A_157 : memref<1x128xi32, #tpu.memory_space<vmem>> -> memref<128xi32, #tpu.memory_space<vmem>>
      %dma_start3A_159 = arith.constant 0 : i32
      %dma_start3A_160 = arith.constant 0 : i32
      %dma_start3A_161 = tpu.memref_slice %arg11[%rem3A_17, %dma_start3A_159, %dma_start3A_160] : memref<4x1024x128xf32, #tpu.memory_space<vmem_shared>> -> memref<1x1024x128xf32, #tpu.memory_space<vmem_shared>>
      %dma_start3A_162 = tpu.memref_squeeze %dma_start3A_161 : memref<1x1024x128xf32, #tpu.memory_space<vmem_shared>> -> memref<1024x128xf32, #tpu.memory_space<vmem_shared>>
      %dma_start3A_163 = arith.constant 0 : i32
      %dma_start3A_164 = arith.constant 0 : i32
      %dma_start3A_165 = tpu.memref_slice %dma_start3A_162[%dma_start3A_163, %dma_start3A_164] : memref<1024x128xf32, #tpu.memory_space<vmem_shared>> -> memref<1024x128xf32, #tpu.memory_space<vmem_shared>>
      tpu.enqueue_indirect_dma source(%arg10 : memref<128x128xf32, #tpu.memory_space<vmem>>) target(%dma_start3A_165 : memref<1024x128xf32, #tpu.memory_space<vmem_shared>>) offsets(%dma_start3A_158 : memref<128xi32, #tpu.memory_space<vmem>>) semaphore(%arg16 : memref<!tpu.dma_semaphore, #tpu.memory_space<semaphore_mem>>) {add = true}
      %ge3A_166 = arith.constant 2 : i32
      %ge3A_167 = arith.cmpi sge, %add3A_150, %ge3A_166 : i32
      %convert_element_type3A_168 = arith.extui %ge3A_167 : i1 to i32
      %cond3A_169 = arith.constant 0 : i32
      %cond3A_170 = arith.cmpi ne, %convert_element_type3A_168, %cond3A_169 : i32
      scf.if %cond3A_170 {
        %sub3A_178 = arith.constant 2 : i32
        %sub3A_179 = arith.subi %add3A_150, %sub3A_178 : i32
        %dma_wait3A_180 = arith.constant 0 : i32
        %dma_wait3A_181 = tpu.memref_slice %arg6[%sub3A_179, %dma_wait3A_180] : memref<32x128xi32, #tpu.memory_space<vmem>> -> memref<1x128xi32, #tpu.memory_space<vmem>>
        %dma_wait3A_182 = tpu.memref_squeeze %dma_wait3A_181 : memref<1x128xi32, #tpu.memory_space<vmem>> -> memref<128xi32, #tpu.memory_space<vmem>>
        %dma_wait3A_183 = arith.constant 0 : i32
        %dma_wait3A_184 = arith.constant 0 : i32
        %dma_wait3A_185 = tpu.memref_slice %arg11[%rem3A_17, %dma_wait3A_183, %dma_wait3A_184] : memref<4x1024x128xf32, #tpu.memory_space<vmem_shared>> -> memref<1x1024x128xf32, #tpu.memory_space<vmem_shared>>
        %dma_wait3A_186 = tpu.memref_squeeze %dma_wait3A_185 : memref<1x1024x128xf32, #tpu.memory_space<vmem_shared>> -> memref<1024x128xf32, #tpu.memory_space<vmem_shared>>
        %dma_wait3A_187 = arith.constant 0 : i32
        %dma_wait3A_188 = arith.constant 0 : i32
        %dma_wait3A_189 = tpu.memref_slice %dma_wait3A_186[%dma_wait3A_187, %dma_wait3A_188] : memref<1024x128xf32, #tpu.memory_space<vmem_shared>> -> memref<1024x128xf32, #tpu.memory_space<vmem_shared>>
        tpu.wait_indirect_dma semaphore(%arg16 : memref<!tpu.dma_semaphore, #tpu.memory_space<semaphore_mem>>) src(%arg8 : memref<128x128xf32, #tpu.memory_space<vmem>>) dst(%dma_wait3A_189 : memref<1024x128xf32, #tpu.memory_space<vmem_shared>>)
      } else {
      }
      %add3A_171 = arith.constant 2 : i32
      %add3A_172 = arith.addi %add3A_150, %add3A_171 : i32
      %lt3A_173 = arith.constant 32 : i32
      %lt3A_174 = arith.cmpi slt, %add3A_172, %lt3A_173 : i32
      %convert_element_type3A_175 = arith.extui %lt3A_174 : i1 to i32
      %cond3A_176 = arith.constant 0 : i32
      %cond3A_177 = arith.cmpi ne, %convert_element_type3A_175, %cond3A_176 : i32
      scf.if %cond3A_177 {
        %add3A_178 = arith.constant 2 : i32
        %add3A_179 = arith.addi %add3A_150, %add3A_178 : i32
        %mul3A_180 = arith.constant 128 : i32
        %mul3A_181 = arith.muli %add3A_179, %mul3A_180 : i32
        %add3A_182 = arith.addi %mul3A_22, %mul3A_181 : i32
        %dma_start3A_183 = tpu.memref_slice %arg2[%add3A_182, %mul3A_18] : memref<32768x512xf32, #tpu.memory_space<hbm>> -> memref<128x128xf32, #tpu.memory_space<hbm>>
        %dma_start3A_184 = tpu.memref_slice %arg2[%add3A_182, %mul3A_18] : memref<32768x512xf32, #tpu.memory_space<hbm>> -> memref<128x128xf32, #tpu.memory_space<hbm>>
        tpu.enqueue_dma source(%dma_start3A_184 : memref<128x128xf32, #tpu.memory_space<hbm>>) target(%arg8 : memref<128x128xf32, #tpu.memory_space<vmem>>) target_semaphore(%arg13 : memref<!tpu.dma_semaphore, #tpu.memory_space<semaphore_mem>>)
      } else {
      }
    }
    %scan3A_36 = arith.constant 8 : i32
    %dma_wait3A = arith.constant 30 : i32
    %dma_wait3A_37 = arith.constant 0 : i32
    %dma_wait3A_38 = tpu.memref_slice %arg6[%dma_wait3A, %dma_wait3A_37] : memref<32x128xi32, #tpu.memory_space<vmem>> -> memref<1x128xi32, #tpu.memory_space<vmem>>
    %dma_wait3A_39 = tpu.memref_squeeze %dma_wait3A_38 : memref<1x128xi32, #tpu.memory_space<vmem>> -> memref<128xi32, #tpu.memory_space<vmem>>
    %dma_wait3A_40 = arith.constant 0 : i32
    %dma_wait3A_41 = arith.constant 0 : i32
    %dma_wait3A_42 = tpu.memref_slice %arg11[%rem3A_17, %dma_wait3A_40, %dma_wait3A_41] : memref<4x1024x128xf32, #tpu.memory_space<vmem_shared>> -> memref<1x1024x128xf32, #tpu.memory_space<vmem_shared>>
    %dma_wait3A_43 = tpu.memref_squeeze %dma_wait3A_42 : memref<1x1024x128xf32, #tpu.memory_space<vmem_shared>> -> memref<1024x128xf32, #tpu.memory_space<vmem_shared>>
    %dma_wait3A_44 = arith.constant 0 : i32
    %dma_wait3A_45 = arith.constant 0 : i32
    %dma_wait3A_46 = tpu.memref_slice %dma_wait3A_43[%dma_wait3A_44, %dma_wait3A_45] : memref<1024x128xf32, #tpu.memory_space<vmem_shared>> -> memref<1024x128xf32, #tpu.memory_space<vmem_shared>>
    tpu.wait_indirect_dma semaphore(%arg16 : memref<!tpu.dma_semaphore, #tpu.memory_space<semaphore_mem>>) src(%arg9 : memref<128x128xf32, #tpu.memory_space<vmem>>) dst(%dma_wait3A_46 : memref<1024x128xf32, #tpu.memory_space<vmem_shared>>)
    %dma_wait3A_47 = arith.constant 31 : i32
    %dma_wait3A_48 = arith.constant 0 : i32
    %dma_wait3A_49 = tpu.memref_slice %arg6[%dma_wait3A_47, %dma_wait3A_48] : memref<32x128xi32, #tpu.memory_space<vmem>> -> memref<1x128xi32, #tpu.memory_space<vmem>>
    %dma_wait3A_50 = tpu.memref_squeeze %dma_wait3A_49 : memref<1x128xi32, #tpu.memory_space<vmem>> -> memref<128xi32, #tpu.memory_space<vmem>>
    %dma_wait3A_51 = arith.constant 0 : i32
    %dma_wait3A_52 = arith.constant 0 : i32
    %dma_wait3A_53 = tpu.memref_slice %arg11[%rem3A_17, %dma_wait3A_51, %dma_wait3A_52] : memref<4x1024x128xf32, #tpu.memory_space<vmem_shared>> -> memref<1x1024x128xf32, #tpu.memory_space<vmem_shared>>
    %dma_wait3A_54 = tpu.memref_squeeze %dma_wait3A_53 : memref<1x1024x128xf32, #tpu.memory_space<vmem_shared>> -> memref<1024x128xf32, #tpu.memory_space<vmem_shared>>
    %dma_wait3A_55 = arith.constant 0 : i32
    %dma_wait3A_56 = arith.constant 0 : i32
    %dma_wait3A_57 = tpu.memref_slice %dma_wait3A_54[%dma_wait3A_55, %dma_wait3A_56] : memref<1024x128xf32, #tpu.memory_space<vmem_shared>> -> memref<1024x128xf32, #tpu.memory_space<vmem_shared>>
    tpu.wait_indirect_dma semaphore(%arg16 : memref<!tpu.dma_semaphore, #tpu.memory_space<semaphore_mem>>) src(%arg10 : memref<128x128xf32, #tpu.memory_space<vmem>>) dst(%dma_wait3A_57 : memref<1024x128xf32, #tpu.memory_space<vmem_shared>>)
    %barrier3A_58 = arith.constant 0 : index
    tpu.barrier barrier_id(%barrier3A_58)
    %mul3A_59 = arith.constant 256 : i32
    %mul3A_60 = arith.muli %select_n3A, %mul3A_59 : i32
    %mul3A_61 = arith.constant 256 : i32
    %mul3A_62 = arith.muli %select_n3A, %mul3A_61 : i32
    "tpu.region"() ({
      %run_scoped3A = tpu.sem_alloc : memref<!tpu.dma_semaphore, #tpu.memory_space<semaphore_mem>>
      %dma_start3A_63 = arith.constant 0 : i32
      %dma_start3A_64 = tpu.memref_slice %arg5[%arg0, %rem3A_17, %mul3A_62, %dma_start3A_63] : memref<2x4x1024x128xf32, #tpu.memory_space<hbm>> -> memref<1x1x256x128xf32, #tpu.memory_space<hbm>>
      %dma_start3A_65 = tpu.memref_squeeze %dma_start3A_64 : memref<1x1x256x128xf32, #tpu.memory_space<hbm>> -> memref<256x128xf32, #tpu.memory_space<hbm>>
      %dma_start3A_66 = arith.constant 0 : i32
      %dma_start3A_67 = tpu.memref_slice %arg11[%rem3A_17, %mul3A_60, %dma_start3A_66] : memref<4x1024x128xf32, #tpu.memory_space<vmem_shared>> -> memref<1x256x128xf32, #tpu.memory_space<vmem_shared>>
      %dma_start3A_68 = tpu.memref_squeeze %dma_start3A_67 : memref<1x256x128xf32, #tpu.memory_space<vmem_shared>> -> memref<256x128xf32, #tpu.memory_space<vmem_shared>>
      tpu.enqueue_dma source(%dma_start3A_68 : memref<256x128xf32, #tpu.memory_space<vmem_shared>>) target(%dma_start3A_65 : memref<256x128xf32, #tpu.memory_space<hbm>>) target_semaphore(%run_scoped3A : memref<!tpu.dma_semaphore, #tpu.memory_space<semaphore_mem>>)
      %dma_wait3A_69 = arith.constant 0 : i32
      %dma_wait3A_70 = tpu.memref_slice %arg5[%arg0, %rem3A_17, %mul3A_62, %dma_wait3A_69] : memref<2x4x1024x128xf32, #tpu.memory_space<hbm>> -> memref<1x1x256x128xf32, #tpu.memory_space<hbm>>
      %dma_wait3A_71 = tpu.memref_squeeze %dma_wait3A_70 : memref<1x1x256x128xf32, #tpu.memory_space<hbm>> -> memref<256x128xf32, #tpu.memory_space<hbm>>
      %dma_wait3A_72 = arith.constant 0 : i32
      %dma_wait3A_73 = tpu.memref_slice %arg11[%rem3A_17, %mul3A_60, %dma_wait3A_72] : memref<4x1024x128xf32, #tpu.memory_space<vmem_shared>> -> memref<1x256x128xf32, #tpu.memory_space<vmem_shared>>
      %dma_wait3A_74 = tpu.memref_squeeze %dma_wait3A_73 : memref<1x256x128xf32, #tpu.memory_space<vmem_shared>> -> memref<256x128xf32, #tpu.memory_space<vmem_shared>>
      tpu.wait_dma2 semaphore(%run_scoped3A : memref<!tpu.dma_semaphore, #tpu.memory_space<semaphore_mem>>) src(%dma_wait3A_74 : memref<256x128xf32, #tpu.memory_space<vmem_shared>>) dst(%dma_wait3A_71 : memref<256x128xf32, #tpu.memory_space<hbm>>)
      tpu.yield
    }) : () -> ()
    return
  }
}

module attributes {stable_mosaic.version = 14 : i64} {
  func.func @mm(%arg0: memref<2x4x1024x128xf32, #tpu.memory_space<vmem>>, %arg1: memref<2048x512xf32, #tpu.memory_space<vmem>>, %arg2: memref<1024x2048xf32, #tpu.memory_space<vmem>>) attributes {dimension_semantics = [], scalar_prefetch = 0 : i64, scratch_operands = 0 : i64, tpu.core_type = #tpu.core_type<tc>} {
    %get3A = arith.constant 0 : index
    %get3A_0 = arith.constant 0 : index
    %get3A_1 = arith.constant 0 : index
    %get3A_2 = arith.constant 0 : index
    %get3A_3 = vector.load %arg0[%get3A, %get3A_0, %get3A_1, %get3A_2] : memref<2x4x1024x128xf32, #tpu.memory_space<vmem>>, vector<1x4x1024x128xf32>
    %get3A_4 = vector.shape_cast %get3A_3 : vector<1x4x1024x128xf32> to vector<4x1024x128xf32>
    %get3A_5 = arith.constant 1 : index
    %get3A_6 = arith.constant 0 : index
    %get3A_7 = arith.constant 0 : index
    %get3A_8 = arith.constant 0 : index
    %get3A_9 = vector.load %arg0[%get3A_5, %get3A_6, %get3A_7, %get3A_8] : memref<2x4x1024x128xf32, #tpu.memory_space<vmem>>, vector<1x4x1024x128xf32>
    %get3A_10 = vector.shape_cast %get3A_9 : vector<1x4x1024x128xf32> to vector<4x1024x128xf32>
    %add3A = arith.addf %get3A_4, %get3A_10 : vector<4x1024x128xf32>
    %slice3A = vector.extract_strided_slice %add3A {offsets = [0, 0, 0], sizes = [1, 1024, 128], strides = [1, 1, 1]} : vector<4x1024x128xf32> to vector<1x1024x128xf32>
    %squeeze3A = vector.shape_cast %slice3A : vector<1x1024x128xf32> to vector<1024x128xf32>
    %slice3A_11 = vector.extract_strided_slice %add3A {offsets = [1, 0, 0], sizes = [1, 1024, 128], strides = [1, 1, 1]} : vector<4x1024x128xf32> to vector<1x1024x128xf32>
    %squeeze3A_12 = vector.shape_cast %slice3A_11 : vector<1x1024x128xf32> to vector<1024x128xf32>
    %slice3A_13 = vector.extract_strided_slice %add3A {offsets = [2, 0, 0], sizes = [1, 1024, 128], strides = [1, 1, 1]} : vector<4x1024x128xf32> to vector<1x1024x128xf32>
    %squeeze3A_14 = vector.shape_cast %slice3A_13 : vector<1x1024x128xf32> to vector<1024x128xf32>
    %slice3A_15 = vector.extract_strided_slice %add3A {offsets = [3, 0, 0], sizes = [1, 1024, 128], strides = [1, 1, 1]} : vector<4x1024x128xf32> to vector<1x1024x128xf32>
    %squeeze3A_16 = vector.shape_cast %slice3A_15 : vector<1x1024x128xf32> to vector<1024x128xf32>
    %concatenate3A = tpu.concatenate %squeeze3A, %squeeze3A_12, %squeeze3A_14, %squeeze3A_16 in 1 : vector<1024x128xf32>, vector<1024x128xf32>, vector<1024x128xf32>, vector<1024x128xf32> -> vector<1024x512xf32>
    %get3A_17 = arith.constant 0 : index
    %get3A_18 = arith.constant 0 : index
    %get3A_19 = vector.load %arg1[%get3A_17, %get3A_18] : memref<2048x512xf32, #tpu.memory_space<vmem>>, vector<2048x512xf32>
    %dot_general3A = arith.constant dense<0.000000e+00> : vector<1024x2048xf32>
    %dot_general3A_20 = tpu.matmul %concatenate3A, %get3A_19, %dot_general3A {dimension_numbers = #tpu.dot_dimension_numbers<[1], [1], [0], [0], [0, 0, 1, 0], [], []>, transpose_lhs_hint = false} : vector<1024x512xf32>, vector<2048x512xf32>, vector<1024x2048xf32> -> vector<1024x2048xf32>
    %swap3A = arith.constant 0 : index
    %swap3A_21 = arith.constant 0 : index
    %swap3A_22 = vector.load %arg2[%swap3A, %swap3A_21] : memref<1024x2048xf32, #tpu.memory_space<vmem>>, vector<1024x2048xf32>
    tpu.vector_store %arg2[%swap3A, %swap3A_21], %dot_general3A_20 {strides = array<i32>} : memref<1024x2048xf32, #tpu.memory_space<vmem>>, vector<1024x2048xf32>,
    return
  }
}

</mosaic_0001>

<sc_bundles>
// kernel: kernel.4.cloned.1.call-start
scs
__scs_entry_jumppad:
0x0: {  	(pc) =	sbr.rel $0x88, $3  }
0x1: {  	(tag) =	ssettag $0x0;
	lr =	simm.s32 $0x1  }
0x2: {  	[smem:$0x3F9E] =	sst lr;
	_ =	strace $0xD0000000  }
0x3: {  	_ = 	snop  }
0x4: {  	_ = 	snop  }
0x5: {  	_ = 	snop  }
0x6: {  	_ = 	snop  }
0x7: {  	_ = 	snop  }
__scs_overlays_trampoline_lowered:
0x8: {  	[smem:$0x3FAD] =	sst s0  }
0x9: {  	[smem:$0x3FAE] =	sst s1  }
0xa: {  	[smem:$0x3FAF] =	sst s2  }
0xb: {  	[smem:$0x3FB0] =	sst s3  }
0xc: {  	[smem:$0x3FB1] =	sst s4  }
0xd: {  	[smem:$0x3FB2] =	sst s5  }
0xe: {  	[smem:$0x3FB3] =	sst s6  }
0xf: {  	[smem:$0x3FB4] =	sst s7  }
0x10: {  	[smem:$0x3FB5] =	sst s8  }
0x11: {  	[smem:$0x3FB6] =	sst s9;
	s0 =	simm.s32 @!p0 $0x0  }
0x12: {  	s1 =	sld [smem:$0x3F9C];
	s0 =	simm.s32 @p0 $0x1  }
0x13: {  	[smem:$0x3FB7] =	sst s0;
	s0 =	simm.s32 @!p1 $0x0  }
0x14: {  	s2 =	sld [smem:$0x3F9B];
	s0 =	simm.s32 @p1 $0x1  }
0x15: {  	[smem:$0x3FB8] =	sst s0;
	s0 =	simm.s32 @!p2 $0x0  }
0x16: {  	s3 =	sld [smem:$0x3FDB];
	s0 =	simm.s32 @p2 $0x1  }
0x17: {  	s4 =	simm.s32 $0x1BF5;
	[smem:$0x3FBA] =	sst s0  }
0x18: {  	s0 =	sld [smem:$0x3F9D];
	_ =	swait.ge [sflag:s4], $0x0  }
0x19: {  	s7 =	sld [smem:$0x3F9E]  }
0x1a: {  	s8 =	sadd.s32 $0xFFFFE003, lr  }
0x1b: {  	s9 =	sadd.s32 $0xFFFFFEF7, lr;
	s5 =	simm.s32 $0xFFFFFFFF;
	p2 =	slt.u32 s8, $0xFFFFF086  }
0x1c: {  	p1 =	slt.u32 s9, $0xF7A;
	s5 =	simm.s32 @!p2 $0x0  }
0x1d: {  	s5 =	simm.s32 @p1 $0x1;
	p0 =	seq.s32 s7, s2  }
0x1e: {  	s7 =	smul.u32 @!p0 $0xF7A, s2;
	p2 =	seq.s32 @!p0 s5, $0x0  }
0x1f: {  	s9 =	smul.u32 $0xF7A, s1;
	s8 =	simm.s32 @!p0 $0x1BF5;
	p2 =	por !p2, p0  }
0x20: {  	[sflag:s8] =	ssyncset.s32 @!p0 $0xFFFFF086;
	s6 =	sadd.s32 @!p0 s3, s7;
	s7 =	simm.s32 @!p0 $0x108  }
0x21: {  	s3 =	sadd.s32 s3, s9;
	s6 =	sadd.s32 @!p0 $0x88, s6;
	s7 =	simm.s32 @p2 $0x1082  }
0x22: {  	[simem:s7], [sflag:s8] =	dma.local @!p0 [hbm:s6], $0xF7A  }
0x23: {  	s9 =	sor.u32 $0xD0000000, s2;
	s6 =	simm.s32 $0x108;
	_ =	swait.ge @!p0 [sflag:s8], $0x0  }
0x24: {  	s3 =	sadd.s32 $0x88, s3;
	s6 =	simm.s32 @!p1 $0x1082;
	[sflag:s4] =	ssyncset.s32 $0xFFFFF086  }
0x25: {  	[simem:s6], [sflag:s4] =	dma.local [hbm:s3], $0xF7A  }
0x26: {  	[smem:$0x3F9E] =	sst s1;
	(tag) =	ssettag s2;
	_ =	strace s9  }
0x27: {  	s1 =	sld [smem:$0x3FAE]  }
0x28: {  	s2 =	sld [smem:$0x3FAF]  }
0x29: {  	s4 =	sld [smem:$0x3FB1]  }
0x2a: {  	p0 =	seq.s32 s5, $0x0;
	s5 =	sld [smem:$0x3FB2]  }
0x2b: {  	s6 =	sld [smem:$0x3FB3]  }
0x2c: {  	s7 =	sld [smem:$0x3FB4]  }
0x2d: {  	s3 =	simm.s32 $0x108;
	s8 =	sld [smem:$0x3FB5]  }
0x2e: {  	s3 =	simm.s32 @!p0 $0x1082;
	s9 =	sld [smem:$0x3FB6]  }
0x2f: {  	lr =	sadd.s32 s0, s3;
	s0 =	sld [smem:$0x3FAD]  }
0x30: {  	s3 =	sld [smem:$0x3FB0]  }
0x31: {  	[smem:$0x3FB9] =	sst s10  }
0x32: {  	s10 =	sld [smem:$0x3FB7];
	_ =	sdelay $0x3  }
0x33: {  	p0 =	seq.s32 s10, $0x1;
	s10 =	sld [smem:$0x3FB9];
	_ =	sdelay $0x3  }
0x34: {  	[smem:$0x3FB9] =	sst s10  }
0x35: {  	s10 =	sld [smem:$0x3FB8];
	_ =	sdelay $0x3  }
0x36: {  	p1 =	seq.s32 s10, $0x1;
	s10 =	sld [smem:$0x3FB9];
	_ =	sdelay $0x3  }
0x37: {  	[smem:$0x3FB9] =	sst s10  }
0x38: {  	s10 =	sld [smem:$0x3FBA]  }
0x39: {  	_ = 	snop;
	(pc) =	sbr.ind lr, $3  }
0x3a: {  	_ = 	snop  }
0x3b: {  	_ = 	snop  }
0x3c: {  	p2 =	seq.s32 s10, $0x1;
	s10 =	sld [smem:$0x3FB9]  }
0x3d: {  	_ =	shalt  }
0x3e: {  	_ =	shalt  }
0x3f: {  	_ =	shalt  }
0x40: {  	_ =	shalt  }
0x41: {  	_ =	shalt  }
0x42: {  	_ =	shalt  }
0x43: {  	_ =	shalt  }
0x44: {  	_ =	shalt  }
0x45: {  	_ =	shalt  }
0x46: {  	_ =	shalt  }
0x47: {  	_ =	shalt  }
0x48: {  	_ =	shalt  }
0x49: {  	_ =	shalt  }
0x4a: {  	_ =	shalt  }
0x4b: {  	_ =	shalt  }
0x4c: {  	_ =	shalt  }
0x4d: {  	_ =	shalt  }
0x4e: {  	_ =	shalt  }
0x4f: {  	_ =	shalt  }
0x50: {  	_ =	shalt  }
0x51: {  	_ =	shalt  }
0x52: {  	_ =	shalt  }
0x53: {  	_ =	shalt  }
0x54: {  	_ =	shalt  }
0x55: {  	_ =	shalt  }
0x56: {  	_ =	shalt  }
0x57: {  	_ =	shalt  }
0x58: {  	_ =	shalt  }
0x59: {  	_ =	shalt  }
0x5a: {  	_ =	shalt  }
0x5b: {  	_ =	shalt  }
0x5c: {  	_ =	shalt  }
0x5d: {  	_ =	shalt  }
0x5e: {  	_ =	shalt  }
0x5f: {  	_ =	shalt  }
0x60: {  	_ =	shalt  }
0x61: {  	_ =	shalt  }
0x62: {  	_ =	shalt  }
0x63: {  	_ =	shalt  }
0x64: {  	_ =	shalt  }
0x65: {  	_ =	shalt  }
0x66: {  	_ =	shalt  }
0x67: {  	_ =	shalt  }
0x68: {  	_ =	shalt  }
0x69: {  	_ =	shalt  }
0x6a: {  	_ =	shalt  }
0x6b: {  	_ =	shalt  }
0x6c: {  	_ =	shalt  }
0x6d: {  	_ =	shalt  }
0x6e: {  	_ =	shalt  }
0x6f: {  	_ =	shalt  }
0x70: {  	_ =	shalt  }
0x71: {  	_ =	shalt  }
0x72: {  	_ =	shalt  }
0x73: {  	_ =	shalt  }
0x74: {  	_ =	shalt  }
0x75: {  	_ =	shalt  }
0x76: {  	_ =	shalt  }
0x77: {  	_ =	shalt  }
0x78: {  	_ =	shalt  }
0x79: {  	_ =	shalt  }
0x7a: {  	_ =	shalt  }
0x7b: {  	_ =	shalt  }
0x7c: {  	_ =	shalt  }
0x7d: {  	_ =	shalt  }
0x7e: {  	_ =	shalt  }
0x7f: {  	_ =	shalt  }
0x80: {  	_ =	shalt  }
0x81: {  	_ =	shalt  }
0x82: {  	_ =	shalt  }
0x83: {  	_ =	shalt  }
0x84: {  	_ =	shalt  }
0x85: {  	_ =	shalt  }
0x86: {  	_ =	shalt  }
0x87: {  	_ =	shalt  }
.Lfunc_end0:
.L_simem_size_0:
called_computation_lowered:
.L_overlay_start_0:
0x88: {  	s2 =	sld [smem:$0x3FD9]  }
0x89: {  	s3 =	sld [smem:$0x3FFE];
	_ =	sdelay $0x1  }
0x8a: {  	s1 =	srdreg.scid  }
0x8b: {  	s0 =	sand.u32 $0x1, s1  }
0x8c: {  	s17 =	sshll.u32 s0, $0xA;
	s2 =	sadd.s32 s3, s2  }
0x8d: {  	s2 =	sadd.s32 s2, s17  }
0x8e: {  	[smem:$0x3FC5] =	sst s2  }
0x8f: {  	_ = 	snop  }
0x90: {  	s2 =	sld [smem:$0x3FC9]  }
0x91: {  	s18 =	sld [smem:$0x3FC7]  }
0x92: {  	s4 =	sld [smem:$0x3FD0];
	(tm) =	ssettm $0x1  }
0x93: {  	s5 =	sld [smem:$0x3FFB];
	_ =	sdelay $0x3  }
0x94: {  	_ =	strace s5  }
0x95: {  	s5 =	sld [smem:$0x3FFC];
	_ =	sdelay $0x3  }
0x96: {  	_ =	strace s5  }
0x97: {  	s5 =	sld [smem:$0x3FFD];
	_ =	sdelay $0x3  }
0x98: {  	_ =	strace s5  }
0x99: {  	_ =	strace $0x8FFFFFFF  }
0x9a: {  	s19 =	sld [smem:$0x3FDB];
	_ =	sdelay $0x1  }
0x9b: {  	s6 =	simm.s32 $_scs_section_size  }
0x9c: {  	s7 =	simm.s32 $_size__tile_overlayer_lowered;
	s8 =	simm.s32 $_tile_overlayer_lowered  }
0x9d: {  	s22 =	simm.s32 $0x1BFF;
	s21 =	sshll.u32 s8, $0x1;
	s5 =	sadd.s32 s6, s19  }
0x9e: {  	s9 =	simm.s32 $0x0;
	s20 =	sshll.u32 s7, $0x1;
	s7 =	sadd.s32 s21, s5  }
0x9f: {  	[timem:s9], [sflag:s22] =	dma.local [hbm:s7], s20  }
0xa0: {  	_ =	swait.ge [sflag:s22], s20  }
0xa1: {  	s6 =	ssub.s32 $0x0, s20;
	[sflag:s22] =	ssyncset.done $0x0  }
0xa2: {  	[sflag:s22] =	ssyncadd.s32 s6;
	_ =	sdelay $0x1  }
0xa3: {  	s23 =	simm.s32 $0x1B8B  }
0xa4: {  	_ =	swait.ge [sflag:s23], $0x1  }
0xa5: {  	[sflag:s23] =	ssyncset.done $0x0  }
0xa6: {  	s25 =	simm.s32 $0x1B8E;
	s24 =	sld [smem:$0x3FFE];
	[sflag:s23] =	ssyncadd.s32 $0xFFFFFFFF  }
0xa7: {  	s26 =	simm.s32 $execute0_lowered;
	[smem:$0x3FD2] =	sst s25  }
0xa8: {  	s7 =	sshll.u32 s26, $0x1;
	_ =	strace $0x80000046;
	[dreg:$0x1] =	wrdreg $0xFFFFFFFF  }
0xa9: {  	s28 =	simm.s32 $_size_execute0_lowered;
	s5 =	sadd.s32 s5, s7;
	[dreg:$0x0] =	wrdreg $0x0  }
0xaa: {  	s7 =	sshll.u32 s28, $0x1;
	[dreg:$0x2] =	wrdreg s5  }
0xab: {  	[dreg:$0x3] =	wrdreg s7  }
0xac: {  	[dreg:$0x4] =	wrdreg $0xC0  }
0xad: {  	_ =	task [dreg:s9], $0x5FFFF  }
0xae: {  	[dreg:$0x1] =	wrdreg $0xFFFFFFFF  }
0xaf: {  	[dreg:$0x0] =	wrdreg $0x60  }
0xb0: {  	[dreg:$0x2] =	wrdreg s2  }
0xb1: {  	[dreg:$0x3] =	wrdreg s18  }
0xb2: {  	[dreg:$0x4] =	wrdreg s24  }
0xb3: {  	[dreg:$0x5] =	wrdreg s4  }
0xb4: {  	[dreg:$0x6] =	wrdreg $0x110000  }
0xb5: {  	[dreg:$0x7] =	wrdreg $0x9  }
0xb6: {  	_ =	task.clear_ibuf [dreg:s9], $0x8FFFF;
	_ =	strace $0x90000046  }
0xb7: {  	s29 =	simm.s32 $0x9;
	_ =	strace $0x80000048  }
0xb8: {  	_ =	swait.ge [sflag:s29], $0x1  }
0xb9: {  	[sflag:s29] =	ssyncadd.s32 $0xFFFFFFFF  }
0xba: {  	_ =	strace $0x90000048  }
0xbb: {  	_ =	sfence  }
0xbc: {  	s30 =	sld [smem:$0x0];
	_ =	sdelay $0x2  }
0xbd: {  	s31 =	sshll.u32 s1, $0xD;
	s1 =	sshrl.u32 s1, $0x2  }
0xbe: {  	s3 =	sand.u32 $0x4000, s31;
	s1 =	sadd.s32 s1, s30  }
0xbf: {  	s0 =	sor.u32 s3, s0;
	s1 =	sshll.u32 s1, $0x11  }
0xc0: {  	s0 =	sor.u32 s1, s0  }
0xc1: {  	s0 =	sadd.s32 $0x8F2B, s0  }
0xc2: {  	[sflag:s0] =	ssyncadd.remote.s32 $0x1  }
0xc3: {  	_ =	sfence.sel $0xFFFF  }
0xc4: {  	[dreg:$0x0] =	wrdreg $0xFFFFFFFF;
	(pc) =	sbr.abs _section_cstart, $3  }
0xc5: {  	[dreg:$0x1] =	wrdreg $0xFFFFFFFF  }
0xc6: {  	_ =	task.clear_ibuf [dreg:s9], $0x2FFFF;
	_ =	strace $0x9FFFFFFF  }
0xc7: {  	(tm) =	ssettm $0x7FFFFFFF  }
tec
execute0_lowered:
.L_overlay_start_1:
0x0: {  	(tag) =	ssettag $0x1  }
0x1: {  	s0 =	rddreg [dreg:$0x0]  }
0x2: {  	s1 =	rddreg [dreg:$0x1]  }
0x3: {  	s2 =	rddreg [dreg:$0x2]  }
0x4: {  	s3 =	rddreg [dreg:$0x3]  }
0x5: {  	s4 =	rddreg [dreg:$0x4];
	s6 =	simm.s32 $0x0  }
0x6: {  	s5 =	srdreg.scid;
	s12 =	stileid.u32;
	s28 =	simm.s32 $0x2  }
0x7: {  	s29 =	simm.s32 $0xD000;
	s30 =	simm.s32 $0x3;
	s31 =	simm.s32 $0x0  }
0x8: {  	[smem:$0x7FF] =	sst s6;
	s5 =	sand.u32 $0x1, s5;
	s2 =	sadd.s32 $0x800, s2  }
0x9: {  	s10 =	sshrl.u32 s12, $0x2;
	s26 =	sand.u32 $0x3, s12;
	s12 =	sshll.u32 s12, $0x6  }
0xa: {  	_ =	strace $0x80000047;
	s24 =	ssub.s32 $0x2, s5;
	[dreg:$0x6] =	wrdreg s2  }
0xb: {  	s7 =	sshll.u32 s5, $0xE;
	s8 =	sshll.u32 s10, $0xC;
	s11 =	sshll.u32 s26, $0x11  }
0xc: {  	s9 =	sshll.u32 s10, $0xF;
	s13 =	sshll.u32 s26, $0xA;
	s6 =	sor.u32 $0x1C06, s12  }
0xd: {  	s19 =	sshll.u32 s10, $0x15;
	s25 =	sshrl.u32 s24, $0x1;
	s4 =	sadd.s32 s11, s4  }
0xe: {  	s7 =	sor.u32 s7, s8;
	s2 =	ssub.s32 s24, s25;
	s15 =	sadd.s32 s9, s4  }
0xf: {  	s14 =	sshll.u32 s7, $0x9;
	s7 =	sshrl.u32 s7, $0x3;
	[dreg:$0x7] =	wrdreg s15  }
0x10: {  	s12 =	sor.u32 s13, s14;
	s14 =	sshll.u32 s5, $0x13;
	s1 =	sadd.s32 s1, s7  }
0x11: {  	s5 =	sshll.u32 s5, $0x17;
	s16 =	sshrl.u32 s12, $0x3;
	[dreg:$0x8] =	wrdreg s1  }
0x12: {  	s17 =	sor.u32 s14, s9;
	s18 =	sor.u32 $0x40000, s12;
	s15 =	sor.u32 $0x50000, s12  }
0x13: {  	s20 =	sor.u32 s19, s5;
	s8 =	sadd.s32 s0, s16;
	s1 =	sor.u32 s11, s17  }
0x14: {  	s11 =	smax.u32 s2, $0x1;
	s21 =	sshrl.u32 s18, $0x3;
	s23 =	sshrl.u32 s15, $0x3  }
0x15: {  	s9 =	sadd.s32 $0x2000, s8;
	s1 =	sshrl.u32 s1, $0x3;
	s12 =	sadd.s32 $0x4000, s8  }
0x16: {  	s14 =	sadd.s32 s0, s21;
	s15 =	sadd.s32 s0, s23;
	s21 =	simm.s32 $0x400  }
0x17: {  	s23 =	simm.s32 $0x5000;
	s10 =	sadd.s32 s3, s1;
	s1 =	sor.u32 s13, s20  }
0x18: {  	s13 =	sadd.s32 $0x6000, s8;
	s20 =	simm.s32 $0x6;
	s22 =	sor.u32 $0x90000, s1  }
0x19: {  	s24 =	sor.u32 $0x80000, s1;
	s25 =	sor.u32 $0x70000, s1;
	s1 =	sor.u32 $0x60000, s1  }
.Ltmp0:
0x1a: {  	s3 =	sshrl.u32 s22, $0x3;
	s2 =	sshrl.u32 s24, $0x3;
	(pc) =	sbr.rel .LBB2_1-.Ltmp0, $4  }
0x1b: {  	s26 =	sshrl.u32 s25, $0x3;
	s1 =	sshrl.u32 s1, $0x3;
	s22 =	simm.s32 $0x1000  }
0x1c: {  	s24 =	simm.s32 $0x1;
	s25 =	simm.s32 $0x80;
	s16 =	sadd.s32 s3, s0  }
0x1d: {  	s17 =	sadd.s32 s2, s0;
	s18 =	sadd.s32 s26, s0;
	s19 =	sadd.s32 s1, s0  }
0x1e: {  	s26 =	simm.s32 $0x9000;
	s0 =	simm.s32 $0x5;
	s2 =	simm.s32 $0x4  }
.LBB2_4:
0x1f: {  	_ =	swait.ge [sflag:s2], $0x4000  }
0x20: {  	[sflag:s2] =	ssyncset.done $0x0  }
0x21: {  	s3 =	simm.s32 $0xF80;
	[sflag:s2] =	ssyncadd.s32 $0xFFFFC000  }
0x22: {  	[spmem:s4] =	stream.indirect.scatter.add.f32 [tilespmem:s29], [sflag:$0x5], $0x80, s3, s25, $0xb8;
	[tilespmem:$0x19000] =	vst v63  }
0x23: {  	_ =	swait.ge [sflag:s0], $0x4000  }
0x24: {  	[sflag:s0] =	ssyncset.done $0x0  }
0x25: {  	[sflag:s0] =	ssyncadd.s32 $0xFFFFC000  }
0x26: {  	_ =	swait.ge [sflag:s0], $0x4000  }
0x27: {  	[sflag:s0] =	ssyncset.done $0x0  }
0x28: {  	[sflag:s0] =	ssyncadd.s32 $0xFFFFC000  }
0x29: {  	_ =	swait.ge [sflag:s0], $0x4000  }
0x2a: {  	s31 =	sadd.s32 $0x1, s31;
	[sflag:s0] =	ssyncset.done $0x0  }
0x2b: {  	p0 =	sne.s32 s31, s11;
	[sflag:s0] =	ssyncadd.s32 $0xFFFFC000  }
.Ltmp1:
0x2c: {  	[bflag:$0x0] =	sbarrier.arrive $0xFFFF;
	(pc) =	sbr.rel @!p0 .LBB2_5-.Ltmp1, $4  }
0x2d: {  	[hbm:s10], [sflag:s6] =	dma.local [spmem:s1], $0x1000  }
0x2e: {  	_ =	swait.ge [sflag:s20], $0x1000  }
0x2f: {  	[sflag:s20] =	ssyncset.done $0x0  }
0x30: {  	[sflag:s20] =	ssyncadd.s32 $0xFFFFF000  }
.LBB2_1:
0x31: {  	s1 =	rddreg [dreg:$0x7]  }
0x32: {  	s3 =	rddreg [dreg:$0x6];
	s1 =	sshrl.u32 s1, $0x3  }
0x33: {  	[spmem:s1], [sflag:s6] =	dma.local [hbm:s3], $0x1000  }
0x34: {  	_ =	swait.ge [sflag:s20], $0x1000  }
0x35: {  	[sflag:s20] =	ssyncset.done $0x0  }
0x36: {  	s7 =	simm.s32 $0x0;
	s5 =	rddreg [dreg:$0x8];
	[sflag:s20] =	ssyncadd.s32 $0xFFFFF000  }
0x37: {  	[tilespmem:s7], [sflag:$0x6] =	stream.linear.gather [hbm4b:s5+s7], $0x1000, $0x38;
	[tilespmem:$0x19000] =	vst v63  }
0x38: {  	_ =	swait.ge [sflag:s20], $0x1000  }
0x39: {  	[sflag:s20] =	ssyncset.done $0x0  }
0x3a: {  	[sflag:s20] =	ssyncadd.s32 $0xFFFFF000  }
0x3b: {  	[bflag:$0x0] =	sbarrier.arrive $0xFFFF  }
0x3c: {  	[tilespmem:s22], [sflag:$0x1] =	stream.strided.gather [hbm4b:s8+s21], $0x4000, s22, s21, $0x38;
	[tilespmem:$0x19000] =	vst v63  }
0x3d: {  	_ = 	snop  }
0x3e: {  	[tilespmem:s23], [sflag:$0x2] =	stream.strided.gather [hbm4b:s9+s21], $0x4000, s22, s21, $0x38;
	[tilespmem:$0x19000] =	vst v63  }
0x3f: {  	_ =	swait.ge [sflag:s24], $0x4000  }
0x40: {  	[sflag:s24] =	ssyncset.done $0x0  }
0x41: {  	[sflag:s24] =	ssyncadd.s32 $0xFFFFC000  }
0x42: {  	[spmem:s4] =	stream.indirect.scatter.add.f32 [tilespmem:s22], [sflag:$0x5], $0x80, s7, s25, $0xb8;
	[tilespmem:$0x19000] =	vst v63  }
0x43: {  	_ = 	snop  }
0x44: {  	[tilespmem:s26], [sflag:$0x3] =	stream.strided.gather [hbm4b:s12+s21], $0x4000, s22, s21, $0x38;
	[tilespmem:$0x19000] =	vst v63  }
0x45: {  	_ =	swait.ge [sflag:s28], $0x4000  }
0x46: {  	[sflag:s28] =	ssyncset.done $0x0  }
0x47: {  	[sflag:s28] =	ssyncadd.s32 $0xFFFFC000  }
0x48: {  	[spmem:s4] =	stream.indirect.scatter.add.f32 [tilespmem:s23], [sflag:$0x5], $0x80, s25, s25, $0xb8;
	[tilespmem:$0x19000] =	vst v63  }
0x49: {  	_ = 	snop  }
0x4a: {  	[tilespmem:s29], [sflag:$0x4] =	stream.strided.gather [hbm4b:s13+s21], $0x4000, s22, s21, $0x38;
	[tilespmem:$0x19000] =	vst v63  }
0x4b: {  	_ =	swait.ge [sflag:s30], $0x4000  }
0x4c: {  	[sflag:s30] =	ssyncset.done $0x0  }
0x4d: {  	s5 =	simm.s32 $0x100;
	[sflag:s30] =	ssyncadd.s32 $0xFFFFC000  }
0x4e: {  	[spmem:s4] =	stream.indirect.scatter.add.f32 [tilespmem:s26], [sflag:$0x5], $0x80, s5, s25, $0xb8;
	[tilespmem:$0x19000] =	vst v63  }
0x4f: {  	_ =	swait.ge [sflag:s0], $0x4000  }
0x50: {  	[sflag:s0] =	ssyncset.done $0x0  }
0x51: {  	[sflag:s0] =	ssyncadd.s32 $0xFFFFC000  }
0x52: {  	[tilespmem:s22], [sflag:$0x1] =	stream.strided.gather [hbm4b:s14+s21], $0x4000, s22, s21, $0x38;
	[tilespmem:$0x19000] =	vst v63  }
0x53: {  	_ =	swait.ge [sflag:s2], $0x4000  }
0x54: {  	[sflag:s2] =	ssyncset.done $0x0  }
0x55: {  	s7 =	simm.s32 $0x180;
	[sflag:s2] =	ssyncadd.s32 $0xFFFFC000  }
0x56: {  	[spmem:s4] =	stream.indirect.scatter.add.f32 [tilespmem:s29], [sflag:$0x5], $0x80, s7, s25, $0xb8;
	[tilespmem:$0x19000] =	vst v63  }
0x57: {  	_ =	swait.ge [sflag:s0], $0x4000  }
0x58: {  	[sflag:s0] =	ssyncset.done $0x0  }
0x59: {  	s3 =	simm.s32 $0x380;
	s5 =	simm.s32 $0x0;
	[sflag:s0] =	ssyncadd.s32 $0xFFFFC000  }
0x5a: {  	[tilespmem:s23], [sflag:$0x2] =	stream.strided.gather [hbm4b:s15+s21], $0x4000, s22, s21, $0x38;
	[tilespmem:$0x19000] =	vst v63  }
.LBB2_2:
0x5b: {  	_ =	swait.ge [sflag:s24], $0x4000  }
0x5c: {  	[sflag:s24] =	ssyncset.done $0x0  }
0x5d: {  	s7 =	sadd.s32 $0xFFFFFE80, s3;
	[sflag:s24] =	ssyncadd.s32 $0xFFFFC000  }
0x5e: {  	[spmem:s4] =	stream.indirect.scatter.add.f32 [tilespmem:s22], [sflag:$0x5], $0x80, s7, s25, $0xb8;
	[tilespmem:$0x19000] =	vst v63  }
0x5f: {  	_ =	swait.ge [sflag:s0], $0x4000  }
0x60: {  	[sflag:s0] =	ssyncset.done $0x0  }
0x61: {  	s7 =	sadd.s32 s5, s19;
	[sflag:s0] =	ssyncadd.s32 $0xFFFFC000  }
0x62: {  	[tilespmem:s26], [sflag:$0x3] =	stream.strided.gather [hbm4b:s7+s21], $0x4000, s22, s21, $0x38;
	[tilespmem:$0x19000] =	vst v63  }
0x63: {  	_ =	swait.ge [sflag:s28], $0x4000  }
0x64: {  	[sflag:s28] =	ssyncset.done $0x0  }
0x65: {  	s7 =	sadd.s32 $0xFFFFFF00, s3;
	[sflag:s28] =	ssyncadd.s32 $0xFFFFC000  }
0x66: {  	[spmem:s4] =	stream.indirect.scatter.add.f32 [tilespmem:s23], [sflag:$0x5], $0x80, s7, s25, $0xb8;
	[tilespmem:$0x19000] =	vst v63  }
0x67: {  	_ =	swait.ge [sflag:s0], $0x4000  }
0x68: {  	[sflag:s0] =	ssyncset.done $0x0  }
0x69: {  	s7 =	sadd.s32 s5, s18;
	[sflag:s0] =	ssyncadd.s32 $0xFFFFC000  }
0x6a: {  	[tilespmem:s29], [sflag:$0x4] =	stream.strided.gather [hbm4b:s7+s21], $0x4000, s22, s21, $0x38;
	[tilespmem:$0x19000] =	vst v63  }
0x6b: {  	_ =	swait.ge [sflag:s30], $0x4000  }
0x6c: {  	p0 =	seq.s32 s5, $0x30000;
	[sflag:s30] =	ssyncset.done $0x0  }
.Ltmp2:
0x6d: {  	s7 =	sadd.s32 $0xFFFFFF80, s3;
	[sflag:s30] =	ssyncadd.s32 $0xFFFFC000;
	(pc) =	sbr.rel @p0 .LBB2_4-.Ltmp2, $4  }
0x6e: {  	[spmem:s4] =	stream.indirect.scatter.add.f32 [tilespmem:s26], [sflag:$0x5], $0x80, s7, s25, $0xb8;
	[tilespmem:$0x19000] =	vst v63  }
0x6f: {  	_ =	swait.ge [sflag:s0], $0x4000  }
0x70: {  	[sflag:s0] =	ssyncset.done $0x0  }
0x71: {  	[sflag:s0] =	ssyncadd.s32 $0xFFFFC000  }
0x72: {  	s7 =	sadd.s32 s5, s17  }
0x73: {  	[tilespmem:s22], [sflag:$0x1] =	stream.strided.gather [hbm4b:s7+s21], $0x4000, s22, s21, $0x38;
	[tilespmem:$0x19000] =	vst v63  }
0x74: {  	_ =	swait.ge [sflag:s2], $0x4000  }
0x75: {  	[sflag:s2] =	ssyncset.done $0x0  }
0x76: {  	[sflag:s2] =	ssyncadd.s32 $0xFFFFC000  }
0x77: {  	[spmem:s4] =	stream.indirect.scatter.add.f32 [tilespmem:s29], [sflag:$0x5], $0x80, s3, s25, $0xb8;
	[tilespmem:$0x19000] =	vst v63  }
.Ltmp3:
0x78: {  	_ = 	snop;
	(pc) =	sbr.rel .LBB2_2-.Ltmp3, $4  }
0x79: {  	_ =	swait.ge [sflag:s0], $0x4000  }
0x7a: {  	s7 =	sadd.s32 s5, s16;
	[sflag:s0] =	ssyncset.done $0x0  }
0x7b: {  	s5 =	sadd.s32 $0x8000, s5;
	s3 =	sadd.s32 $0x200, s3;
	[sflag:s0] =	ssyncadd.s32 $0xFFFFC000  }
0x7c: {  	[tilespmem:s23], [sflag:$0x2] =	stream.strided.gather [hbm4b:s7+s21], $0x4000, s22, s21, $0x38;
	[tilespmem:$0x19000] =	vst v63  }
.LBB2_5:
0x7d: {  	_ =	sfence.sel $0x180000  }
0x7e: {  	[bflag:$0x0] =	sbarrier.arrive $0xFFFF  }
0x7f: {  	_ =	strace $0x90000047  }
0x80: {  	s0 =	stileid.u32;
	[bflag:$0x2] =	sbarrier.arrive $0xFFFF  }
0x81: {  	p0 =	sne.s32 s0, $0x0;
	s0 =	rddreg [dreg:$0x5]  }
0x82: {  	s0 =	sadd.s32 @!p0 $0x100000, s0  }
0x83: {  	[sflag:s0] =	ssyncadd.tile.s32 @!p0 $0x1;
	_ =	shalt  }
.Lfunc_end2:
_tile_overlayer_lowered:
.L_overlay_start_2:
0x84: {  	(tag) =	ssettag $0x2  }
0x85: {  	s0 =	rddreg [dreg:$0x0];
	s2 =	stileid.u32  }
0x86: {  	s1 =	rddreg [dreg:$0x1];
	p0 =	sne.s32 s2, $0x0  }
0x87: {  	s3 =	rddreg [dreg:$0x2];
	[bflag:$0x3] =	sbarrier.arrive $0xFFFF;
	s2 =	simm.s32 @!p0 $0x1C06  }
0x88: {  	[timem:s3], [sflag:s2] =	dma.local @!p0 [hbm:s0], s1  }
0x89: {  	s0 =	simm.s32 @!p0 $0x6  }
0x8a: {  	_ =	swait.ge @!p0 [sflag:s0], s1  }
0x8b: {  	s1 =	ssub.s32 @!p0 $0x0, s1;
	[sflag:s0] =	ssyncset.done @!p0 $0x0  }
0x8c: {  	[sflag:s0] =	ssyncadd.s32 @!p0 s1  }
0x8d: {  	[bflag:$0x3] =	sbarrier.arrive $0xFFFF  }
0x8e: {  	_ =	shalt  }

</sc_bundles>
